<compile_context>
chip_gen: v7x
topology: tpu7x:2x2x1
jax: 0.10.2.dev20260603
libtpu: 0.0.44.dev20260713+nightly
codegen_flags: <defaults>
</compile_context>

<pallas_src>
import functools

import jax
import jax.numpy as jnp
from jax import lax
from jax.experimental import pallas as pl
from jax.experimental.pallas import tpu as pltpu
from jax.experimental.pallas import tpu_sc as plsc

N = 10000
E = 160000
F_NODE = 128
F_EDGE = 16
D = 32
B = 128
T = 4096
N_OUT = 8
STEPS = 3

NC = 2
NS = 16
NW = NC * NS
CH = 128
ROWS_W = 40
EP = NW * ROWS_W * CH
NP = 10016
RT = NP // NS

_f32 = jnp.float32


def _dgt(a, b, ca, cb, prec=lax.Precision.HIGHEST):
    return lax.dot_general(a, b, (((ca,), (cb,)), ((), ())),
                           preferred_element_type=_f32, precision=prec)



def _node_pre_body(x_ref, w1, b1, g1, bb1, w2, b2, g2, bb2, out_ref):
    x = x_ref[...]
    t = _dgt(x, w1[...], 1, 0) + b1[...]
    m = jnp.mean(t, 0, keepdims=True)
    v = jnp.mean((t - m) ** 2, 0, keepdims=True)
    t = jax.nn.relu(g1[...] * (t - m) / jnp.sqrt(v + 1e-5) + bb1[...])
    t2 = _dgt(t, w2[...], 1, 0) + b2[...]
    m2 = jnp.mean(t2, 0, keepdims=True)
    v2 = jnp.mean((t2 - m2) ** 2, 0, keepdims=True)
    out_ref[...] = jax.nn.relu(g2[...] * (t2 - m2) / jnp.sqrt(v2 + 1e-5) + bb2[...])


def _node_pre(x, p):
    return pl.pallas_call(
        _node_pre_body,
        out_shape=jax.ShapeDtypeStruct((N, D), _f32),
    )(x, p['W1'], p['b1'].reshape(1, D), p['bn1g'].reshape(1, D),
      p['bn1b'].reshape(1, D), p['W2'], p['b2'].reshape(1, D),
      p['bn2g'].reshape(1, D), p['bn2b'].reshape(1, D))


GP = 8
GR = E // GP
GRP = EP // GP


def _stats_body(a_ref, k_ref, cs_ref):
    i = pl.program_id(0)
    a = a_ref[...]
    kt = _dgt(a, a, 0, 0)
    cst = jnp.sum(a, 0, keepdims=True)

    @pl.when(i == 0)
    def _():
        k_ref[...] = kt
        cs_ref[...] = cst

    @pl.when(i > 0)
    def _():
        k_ref[...] += kt
        cs_ref[...] += cst


def _stats(arr, tr):
    r, l = arr.shape
    return pl.pallas_call(
        _stats_body,
        grid=(r // tr,),
        in_specs=[pl.BlockSpec((tr, l), lambda i: (i, 0))],
        out_specs=(pl.BlockSpec((l, l), lambda i: (0, 0)),
                   pl.BlockSpec((1, l), lambda i: (0, 0))),
        out_shape=(jax.ShapeDtypeStruct((l, l), _f32),
                   jax.ShapeDtypeStruct((1, l), _f32)),
    )(arr)


def _fold1_body(k_ref, cs_ref, we1, be1, g1, bb1, wbd_ref, c1t_ref):
    k1 = k_ref[...]
    cs = cs_ref[...]
    s = sum(k1[i * F_EDGE:(i + 1) * F_EDGE, i * F_EDGE:(i + 1) * F_EDGE]
            for i in range(GP))
    sm = sum(cs[:, i * F_EDGE:(i + 1) * F_EDGE] for i in range(GP))
    mu = sm / E
    m1 = _dgt(mu, we1[...], 1, 0) + be1[...]
    cov = s / E - _dgt(mu, mu, 0, 0)
    v1 = jnp.sum(we1[...] * _dgt(cov, we1[...], 1, 0), 0, keepdims=True)
    a1 = g1[...] / jnp.sqrt(v1 + 1e-5)
    w1f = we1[...] * a1
    c1f = a1 * (be1[...] - m1) + bb1[...]
    wbd_ref[...] = jnp.zeros((GP * F_EDGE, GP * D), _f32)
    for i in range(GP):
        wbd_ref[pl.ds(i * F_EDGE, F_EDGE), pl.ds(i * D, D)] = w1f
        c1t_ref[:, pl.ds(i * D, D)] = c1f


def _fold1(s_ea, sum_ea, p):
    return pl.pallas_call(
        _fold1_body,
        out_shape=(jax.ShapeDtypeStruct((GP * F_EDGE, GP * D), _f32),
                   jax.ShapeDtypeStruct((1, GP * D), _f32)),
    )(s_ea, sum_ea, p['We1'], p['be1'].reshape(1, D),
      p['bne1g'].reshape(1, D), p['bne1b'].reshape(1, D))


EBLK_G = GR // 10
PBLK_G = GRP // 10


def _e1_body(g_ref, wbd, c1t, e1_ref):
    g = g_ref[...]
    h = jax.nn.relu(_dgt(g, wbd[...], 1, 0) + c1t[...])
    e1_ref[pl.ds(0, EBLK_G), :] = h
    e1_ref[pl.ds(EBLK_G, PBLK_G - EBLK_G), :] = (
        jnp.zeros((PBLK_G - EBLK_G, GP * D), _f32))


def _e1_compute(gview, wbd, c1t):
    return pl.pallas_call(
        _e1_body,
        grid=(10,),
        in_specs=[pl.BlockSpec((EBLK_G, GP * F_EDGE), lambda i: (i, 0)),
                  pl.BlockSpec((GP * F_EDGE, GP * D), lambda i: (0, 0)),
                  pl.BlockSpec((1, GP * D), lambda i: (0, 0))],
        out_specs=pl.BlockSpec((PBLK_G, GP * D), lambda i: (i, 0)),
        out_shape=jax.ShapeDtypeStruct((GRP, GP * D), _f32),
    )(gview, wbd, c1t)


def _fold2_body(k_ref, cs_ref, we2, be2, g2, bb2, w2f_ref, c2f_ref):
    k2 = k_ref[...]
    cs = cs_ref[...]
    s1 = sum(k2[i * D:(i + 1) * D, i * D:(i + 1) * D] for i in range(GP))
    sum1 = sum(cs[:, i * D:(i + 1) * D] for i in range(GP))
    mu1 = sum1 / E
    m2 = _dgt(mu1, we2[...], 1, 0) + be2[...]
    cov1 = s1 / E - _dgt(mu1, mu1, 0, 0)
    cw = _dgt(cov1, we2[...], 1, 0)
    v2 = jnp.sum(we2[...] * cw, 0, keepdims=True)
    a2 = g2[...] / jnp.sqrt(v2 + 1e-5)
    w2f_ref[...] = we2[...] * a2
    c2f_ref[...] = a2 * (be2[...] - m2) + bb2[...]


def _fold2(s1, sum1, p):
    return pl.pallas_call(
        _fold2_body,
        out_shape=(jax.ShapeDtypeStruct((D, D * D), _f32),
                   jax.ShapeDtypeStruct((1, D * D), _f32)),
    )(s1, sum1, p['We2'], p['be2'].reshape(1, D * D),
      p['bne2g'].reshape(1, D * D), p['bne2b'].reshape(1, D * D))


def _edge_pre(edge_attr, p):
    gview = edge_attr.reshape(GR, GP * F_EDGE)
    k1, cs1 = _stats(gview, 2000)
    wbd, c1t = _fold1(k1, cs1, p)
    e1q = _e1_compute(gview, wbd, c1t)
    k2, cs2 = _stats(e1q, 2048)
    w2f, c2f = _fold2(k2, cs2, p)
    return e1q.reshape(EP, D), w2f, c2f


TE = 2048


def _msg_body(xj_ref, e1_ref, m_ref, c_ref, out_ref):
    xj = xj_ref[...]
    e1 = e1_ref[...]
    o = jnp.concatenate([xj[:, d:d + 1] * e1 for d in range(D)], 1)
    acc = _dgt(o, m_ref[...], 1, 0)
    out_ref[...] = acc + _dgt(xj, c_ref[...], 1, 0)


def _msg(xjp, e1p, mmat, cmat):
    ge = EP // TE
    return pl.pallas_call(
        _msg_body,
        grid=(ge,),
        in_specs=[pl.BlockSpec((TE, D), lambda i: (i, 0)),
                  pl.BlockSpec((TE, D), lambda i: (i, 0)),
                  pl.BlockSpec((D * D, D), lambda i: (0, 0)),
                  pl.BlockSpec((D, D), lambda i: (0, 0))],
        out_specs=pl.BlockSpec((TE, D), lambda i: (i, 0)),
        out_shape=jax.ShapeDtypeStruct((EP, D), _f32),
    )(xjp, e1p, mmat, cmat)


def _gru_body(out_ref, h_ref, a0_ref, a1_ref, d0_ref, d1_ref,
              wroot, broot, wx, bx, wh, bh, lng, lnb, new_ref):
    deg = jnp.maximum(d0_ref[...] + d1_ref[...], 1.0)
    agg = (a0_ref[...] + a1_ref[...]) / deg
    out = out_ref[...]
    h = h_ref[...]
    m = jax.nn.relu(_dgt(out, wroot[...], 1, 0) + broot[...] + agg)
    gi = _dgt(m, wx[...], 1, 0) + bx[...]
    gh = _dgt(h, wh[...], 1, 0) + bh[...]
    r = jax.nn.sigmoid(gi[:, 0:D] + gh[:, 0:D])
    z = jax.nn.sigmoid(gi[:, D:2 * D] + gh[:, D:2 * D])
    ng = jnp.tanh(gi[:, 2 * D:3 * D] + r * gh[:, 2 * D:3 * D])
    hn = (1.0 - z) * ng + z * h
    mh = jnp.mean(hn, -1, keepdims=True)
    vh = jnp.mean((hn - mh) ** 2, -1, keepdims=True)
    new_ref[...] = lng[...] * (hn - mh) / jnp.sqrt(vh + 1e-5) + lnb[...]


def _gru(out, h, a0, a1, d0, d1, p):
    trn = 2000
    row = lambda i: (i, 0)
    full = lambda i: (0, 0)
    return pl.pallas_call(
        _gru_body,
        grid=(N // trn,),
        in_specs=[pl.BlockSpec((trn, D), row)] * 4 +
                 [pl.BlockSpec((trn, 1), row)] * 2 +
                 [pl.BlockSpec((D, D), full), pl.BlockSpec((1, D), full),
                  pl.BlockSpec((D, 3 * D), full), pl.BlockSpec((1, 3 * D), full),
                  pl.BlockSpec((D, 3 * D), full), pl.BlockSpec((1, 3 * D), full),
                  pl.BlockSpec((1, D), full), pl.BlockSpec((1, D), full)],
        out_specs=pl.BlockSpec((trn, D), row),
        out_shape=jax.ShapeDtypeStruct((N, D), _f32),
    )(out, h, a0, a1, d0, d1, p['Wroot'], p['broot'].reshape(1, D),
      p['Wx'], p['bx'].reshape(1, 3 * D), p['Wh'], p['bh'].reshape(1, 3 * D),
      p['lng'].reshape(1, D), p['lnb'].reshape(1, D))


def _ohdot(oh, x, ca, cb):
    hi = x.astype(jnp.bfloat16).astype(_f32)
    lo = x - hi
    return (_dgt(oh, hi, ca, cb, lax.Precision.DEFAULT) +
            _dgt(oh, lo, ca, cb, lax.Precision.DEFAULT))


def _s2s_body(out_ref, b_ref, wxl, whl, bl, tab_ref):
    out = out_ref[...]
    bt = b_ref[...]
    oh = (bt == lax.broadcasted_iota(jnp.int32, (N, B), 1)).astype(_f32)
    qs = jnp.zeros((B, 2 * D), _f32)
    hh = jnp.zeros((B, D), _f32)
    cc = jnp.zeros((B, D), _f32)
    for _ in range(STEPS):
        g = _dgt(qs, wxl[...], 1, 0) + _dgt(hh, whl[...], 1, 0) + bl[...]
        i_ = jax.nn.sigmoid(g[:, 0:D])
        f_ = jax.nn.sigmoid(g[:, D:2 * D])
        gc = jnp.tanh(g[:, 2 * D:3 * D])
        o_ = jax.nn.sigmoid(g[:, 3 * D:4 * D])
        cc = f_ * cc + i_ * gc
        hh = o_ * jnp.tanh(cc)
        ener_all = lax.dot_general(
            out, hh, (((1,), (1,)), ((), ())),
            preferred_element_type=_f32,
            precision=lax.Precision.HIGHEST)
        ener = jnp.sum(oh * ener_all, 1, keepdims=True)
        emax = jnp.max(jnp.where(oh > 0, ener_all, -1e30), 0, keepdims=True)
        epn = jnp.sum(oh * emax, 1, keepdims=True)
        ee = jnp.exp(ener - epn)
        denom = _ohdot(oh, ee, 0, 0)
        dpn = _ohdot(oh, denom, 1, 0)
        a = ee / (dpn + 1e-16)
        rvec = _ohdot(oh, a * out, 0, 0)
        qs = jnp.concatenate([hh, rvec], 1)
    tab_ref[:, 0:D] = out
    tab_ref[:, D:3 * D] = _ohdot(oh, qs, 1, 0)


def _s2s(out, batch2d, p):
    return pl.pallas_call(
        _s2s_body,
        out_shape=jax.ShapeDtypeStruct((N, 3 * D), _f32),
        compiler_params=pltpu.CompilerParams(
            vmem_limit_bytes=100 * 1024 * 1024),
    )(out, batch2d, p['Wxl'], p['Whl'], p['bl'].reshape(1, 4 * D))


def _readout_body(g0_ref, g1_ref, tc_ref, p1, pb1, l1g, l1b,
                  p2, pb2, l2g, l2b, p3, pb3, out_ref):
    g0 = g0_ref[...]
    g1 = g1_ref[...]
    zc = jnp.concatenate([g0[:, 0:D], g1[:, 0:D], g0[:, D:3 * D]], 1)

    def ln_relu(z, g, b):
        m = jnp.mean(z, -1, keepdims=True)
        v = jnp.mean((z - m) ** 2, -1, keepdims=True)
        return jax.nn.relu(g[...] * (z - m) / jnp.sqrt(v + 1e-5) + b[...])

    z1 = ln_relu(_dgt(zc, p1[...], 1, 0) + pb1[...], l1g, l1b)
    z2 = ln_relu(_dgt(z1, p2[...], 1, 0) + pb2[...], l2g, l2b)
    pred = _dgt(z2, p3[...], 1, 0) + pb3[...]
    oh = (tc_ref[...] == lax.broadcasted_iota(jnp.int32, (T, N_OUT), 1))
    out_ref[...] = jnp.sum(pred * oh.astype(_f32), 1, keepdims=True)


def _readout(g0, g1, tc2d, p):
    return pl.pallas_call(
        _readout_body,
        out_shape=jax.ShapeDtypeStruct((T, 1), _f32),
    )(g0, g1, tc2d, p['P1'], p['pb1'].reshape(1, 4 * D),
      p['ln1g'].reshape(1, 4 * D), p['ln1b'].reshape(1, 4 * D),
      p['P2'], p['pb2'].reshape(1, 4 * D), p['ln2g'].reshape(1, 4 * D),
      p['ln2b'].reshape(1, 4 * D), p['P3'], p['pb3'].reshape(1, N_OUT))



@functools.cache
def _mesh():
    return plsc.VectorSubcoreMesh(core_axis_name="c", subcore_axis_name="s",
                                  num_cores=NC, num_subcores=NS)


def _wid():
    return lax.axis_index("s") * NC + lax.axis_index("c")


@functools.partial(jax.jit, static_argnums=(2, 3))
def _sc_gather(table, idx3, w, r):

    @functools.partial(
        pl.kernel,
        out_type=jax.ShapeDtypeStruct((NW * r * CH, w), _f32),
        mesh=_mesh(),
        compiler_params=pltpu.CompilerParams(use_tc_tiling_on_sc=False),
        scratch_types=[pltpu.VMEM((r, CH), jnp.int32),
                       pltpu.VMEM((CH, w), _f32),
                       pltpu.SemaphoreType.DMA],
    )
    def k(table_hbm, idx_hbm, out_hbm, idx_v, buf, sem):
        wid = _wid()
        pltpu.sync_copy(idx_hbm.at[wid], idx_v)

        def body(j, _):
            base = (wid * r + j) * CH
            pltpu.async_copy(table_hbm.at[idx_v.at[j]], buf, sem).wait()
            pltpu.sync_copy(buf, out_hbm.at[pl.ds(base, CH)])
            return 0

        lax.fori_loop(0, r, body, 0)

    return k(table, idx3)


def _zero_fill(ref, rows, w):
    def zb(i, _):
        for c in range(w // 16):
            ref[i, pl.ds(c * 16, 16)] = jnp.zeros((16,), _f32)
        return 0
    lax.fori_loop(0, rows, zb, 0)


@jax.jit
def _sc_scatter(vals, dst3):

    @functools.partial(
        pl.kernel,
        out_type=jax.ShapeDtypeStruct((NC, NP, D), _f32),
        mesh=_mesh(),
        compiler_params=pltpu.CompilerParams(use_tc_tiling_on_sc=False),
        scratch_types=[pltpu.VMEM((ROWS_W, CH), jnp.int32),
                       pltpu.VMEM((CH, D), _f32),
                       pltpu.VMEM((RT, D), _f32),
                       pltpu.VMEM_SHARED((NP, D), _f32)],
    )
    def k(vals_hbm, dst_hbm, aggs_hbm, idx_v, row_v, zbuf, agg_sh):
        cid = lax.axis_index("c")
        sid = lax.axis_index("s")
        wid = sid * NC + cid
        _zero_fill(zbuf, RT, D)
        pltpu.sync_copy(zbuf, agg_sh.at[pl.ds(sid * RT, RT)])
        plsc.subcore_barrier()
        pltpu.sync_copy(dst_hbm.at[wid], idx_v)

        def body(j, _):
            base = (wid * ROWS_W + j) * CH
            pltpu.sync_copy(vals_hbm.at[pl.ds(base, CH)], row_v)
            pltpu.sync_copy(row_v, agg_sh.at[idx_v.at[j]], add=True)
            return 0

        lax.fori_loop(0, ROWS_W, body, 0)
        plsc.subcore_barrier()
        pltpu.sync_copy(agg_sh.at[pl.ds(sid * RT, RT)], zbuf)
        pltpu.sync_copy(zbuf, aggs_hbm.at[cid, pl.ds(sid * RT, RT)])

    return k(vals, dst3)


@jax.jit
def _sc_degree(dst3):
    w = 16

    @functools.partial(
        pl.kernel,
        out_type=jax.ShapeDtypeStruct((NC, NP, w), _f32),
        mesh=_mesh(),
        compiler_params=pltpu.CompilerParams(use_tc_tiling_on_sc=False),
        scratch_types=[pltpu.VMEM((ROWS_W, CH), jnp.int32),
                       pltpu.VMEM((CH, w), _f32),
                       pltpu.VMEM((RT, w), _f32),
                       pltpu.VMEM_SHARED((NP, w), _f32)],
    )
    def k(dst_hbm, deg_hbm, idx_v, one_v, zbuf, deg_sh):
        cid = lax.axis_index("c")
        sid = lax.axis_index("s")
        wid = sid * NC + cid
        _zero_fill(zbuf, RT, w)

        def ob(i, _):
            one_v[i, pl.ds(0, 16)] = jnp.ones((16,), _f32)
            return 0
        lax.fori_loop(0, CH, ob, 0)

        pltpu.sync_copy(zbuf, deg_sh.at[pl.ds(sid * RT, RT)])
        plsc.subcore_barrier()
        pltpu.sync_copy(dst_hbm.at[wid], idx_v)

        def body(j, _):
            pltpu.sync_copy(one_v, deg_sh.at[idx_v.at[j]], add=True)
            return 0

        lax.fori_loop(0, ROWS_W, body, 0)
        plsc.subcore_barrier()
        pltpu.sync_copy(deg_sh.at[pl.ds(sid * RT, RT)], zbuf)
        pltpu.sync_copy(zbuf, deg_hbm.at[cid, pl.ds(sid * RT, RT)])

    return k(dst3)



def kernel(x, edge_attr, edge_index, batch, target_index, target_class, params):
    p = params
    src = edge_index[0].astype(jnp.int32)
    dst = edge_index[1].astype(jnp.int32)
    def _padb(a, fill):
        return jnp.pad(a.reshape(10, E // 10), ((0, 0), (0, (EP - E) // 10)),
                       constant_values=fill).reshape(NW, ROWS_W, CH)
    src3 = _padb(src, 0)
    dst3 = _padb(dst, N)

    out = _node_pre(x, p)
    h = out
    e1p, w2f, c2f = _edge_pre(edge_attr, p)
    mmat = w2f.reshape(D, D, D).transpose(1, 0, 2).reshape(D * D, D)
    cmat = c2f.reshape(D, D)

    degs = _sc_degree(dst3)
    d0 = degs[0, :N, 0:1]
    d1 = degs[1, :N, 0:1]

    for _ in range(STEPS):
        xjp = _sc_gather(out, src3, D, ROWS_W)
        msgp = _msg(xjp, e1p, mmat, cmat)
        aggs = _sc_scatter(msgp, dst3)
        out = _gru(out, h, aggs[0, :N], aggs[1, :N], d0, d1, p)
        h = out

    batch2d = batch.astype(jnp.int32).reshape(N, 1)
    tab = _s2s(out, batch2d, p)

    atoms = jnp.concatenate([target_index[0], target_index[1]]).astype(jnp.int32)
    atoms3 = atoms.reshape(NW, (2 * T) // (NW * CH), CH)
    gath = _sc_gather(tab, atoms3, 3 * D, (2 * T) // (NW * CH))

    tc2d = target_class.astype(jnp.int32).reshape(T, 1)
    pred = _readout(gath[:T], gath[T:], tc2d, p)
    return pred.reshape(T)

# --- scband reference (transcript-rebuilt; emitter-appended) ---
"""Pipeline reference for scband-net-90280212562085 (READ-ONLY COPY).

The authoritative reference and input builder live on the scoring server;
editing this copy changes nothing except your own understanding.
"""

import jax, jax.numpy as jnp
import numpy as np

N = 10000
E = 160000
F_NODE = 128
F_EDGE = 16
DIM = 32
B = 128
T = 4096
N_OUT = 8
STEPS = 3


def _bn(x, g, b):
    m = x.mean(0)
    v = x.var(0)
    return g * (x - m) / jnp.sqrt(v + 1e-5) + b


def _ln(x, g, b):
    m = x.mean(-1, keepdims=True)
    v = x.var(-1, keepdims=True)
    return g * (x - m) / jnp.sqrt(v + 1e-5) + b


def setup_inputs(seed: int = 0) -> dict:
    key = jax.random.key(seed)
    ks = jax.random.split(key, 40)
    s = 0.05

    def w(i, shape):
        return jax.random.normal(ks[i], shape, dtype=jnp.float32) * s

    params = {
        'W1': w(0, (F_NODE, DIM)), 'b1': jnp.zeros((DIM,)),
        'bn1g': jnp.ones((DIM,)), 'bn1b': jnp.zeros((DIM,)),
        'W2': w(1, (DIM, DIM)), 'b2': jnp.zeros((DIM,)),
        'bn2g': jnp.ones((DIM,)), 'bn2b': jnp.zeros((DIM,)),
        'We1': w(2, (F_EDGE, DIM)), 'be1': jnp.zeros((DIM,)),
        'bne1g': jnp.ones((DIM,)), 'bne1b': jnp.zeros((DIM,)),
        'We2': w(3, (DIM, DIM * DIM)), 'be2': jnp.zeros((DIM * DIM,)),
        'bne2g': jnp.ones((DIM * DIM,)), 'bne2b': jnp.zeros((DIM * DIM,)),
        'Wroot': w(4, (DIM, DIM)), 'broot': jnp.zeros((DIM,)),
        'Wx': w(5, (DIM, 3 * DIM)), 'bx': jnp.zeros((3 * DIM,)),
        'Wh': w(6, (DIM, 3 * DIM)), 'bh': jnp.zeros((3 * DIM,)),
        'lng': jnp.ones((DIM,)), 'lnb': jnp.zeros((DIM,)),
        'Wxl': w(7, (2 * DIM, 4 * DIM)), 'Whl': w(8, (DIM, 4 * DIM)),
        'bl': jnp.zeros((4 * DIM,)),
        'P1': w(9, (4 * DIM, 4 * DIM)), 'pb1': jnp.zeros((4 * DIM,)),
        'ln1g': jnp.ones((4 * DIM,)), 'ln1b': jnp.zeros((4 * DIM,)),
        'P2': w(10, (4 * DIM, 4 * DIM)), 'pb2': jnp.zeros((4 * DIM,)),
        'ln2g': jnp.ones((4 * DIM,)), 'ln2b': jnp.zeros((4 * DIM,)),
        'P3': w(11, (4 * DIM, N_OUT)), 'pb3': jnp.zeros((N_OUT,)),
    }
    return {
        'x': jax.random.normal(ks[20], (N, F_NODE), dtype=jnp.float32),
        'edge_attr': jax.random.normal(ks[21], (E, F_EDGE), dtype=jnp.float32),
        'edge_index': jax.random.randint(ks[22], (2, E), 0, N, dtype=jnp.int64),
        'batch': jnp.sort(jax.random.randint(ks[23], (N,), 0, B, dtype=jnp.int64)),
        'target_index': jax.random.randint(ks[24], (2, T), 0, N, dtype=jnp.int64),
        'target_class': jax.random.randint(ks[25], (T,), 0, N_OUT, dtype=jnp.int64),
        'params': params,
    }


def reference(x, edge_attr, edge_index, batch, target_index, target_class, params):
    p = params
    n = x.shape[0]
    # preprocess MLP
    out = jax.nn.relu(_bn(x @ p['W1'] + p['b1'], p['bn1g'], p['bn1b']))
    out = jax.nn.relu(_bn(out @ p['W2'] + p['b2'], p['bn2g'], p['bn2b']))
    h = out
    # edge network -> per-edge [DIM, DIM] weight
    e = jax.nn.relu(_bn(edge_attr @ p['We1'] + p['be1'], p['bne1g'], p['bne1b']))
    theta = _bn(e @ p['We2'] + p['be2'], p['bne2g'], p['bne2b']).reshape(-1, DIM, DIM)
    src = edge_index[0]
    dst = edge_index[1]
    deg = jnp.clip(jax.ops.segment_sum(jnp.ones_like(dst, jnp.float32), dst, n), 1.0)
    for _ in range(STEPS):
        xj = jnp.take(out, src, axis=0)
        msg = jnp.einsum('ed,edk->ek', xj, theta)
        agg = jax.ops.segment_sum(msg, dst, n) / deg[:, None]
        m = jax.nn.relu(out @ p['Wroot'] + p['broot'] + agg)
        # gated GRU update with layer norm (NormGRU)
        gi = m @ p['Wx'] + p['bx']
        gh = h @ p['Wh'] + p['bh']
        ir, iz, inn = jnp.split(gi, 3, -1)
        hr, hz, hn = jnp.split(gh, 3, -1)
        r = jax.nn.sigmoid(ir + hr)
        z = jax.nn.sigmoid(iz + hz)
        ng = jnp.tanh(inn + r * hn)
        h = (1.0 - z) * ng + z * h
        h = _ln(h, p['lng'], p['lnb'])
        out = h
    # Set2Set global pooling
    qs = jnp.zeros((B, 2 * DIM), dtype=jnp.float32)
    hh = jnp.zeros((B, DIM), dtype=jnp.float32)
    cc = jnp.zeros((B, DIM), dtype=jnp.float32)
    for _ in range(STEPS):
        g = qs @ p['Wxl'] + hh @ p['Whl'] + p['bl']
        i_, f_, gc, o_ = jnp.split(g, 4, -1)
        cc = jax.nn.sigmoid(f_) * cc + jax.nn.sigmoid(i_) * jnp.tanh(gc)
        hh = jax.nn.sigmoid(o_) * jnp.tanh(cc)
        q = hh
        ener = jnp.sum(out * jnp.take(q, batch, 0), -1)
        emax = jax.ops.segment_max(ener, batch, B)
        ee = jnp.exp(ener - jnp.take(emax, batch, 0))
        denom = jax.ops.segment_sum(ee, batch, B)
        a = ee / (jnp.take(denom, batch, 0) + 1e-16)
        rvec = jax.ops.segment_sum(a[:, None] * out, batch, B)
        qs = jnp.concatenate([q, rvec], -1)
    s2s = qs
    atom0 = target_index[0]
    atom1 = target_index[1]
    node0 = jnp.take(out, atom0, 0)
    node1 = jnp.take(out, atom1, 0)
    s2s0 = jnp.take(s2s, batch, 0)
    s2s0 = jnp.take(s2s0, atom0, 0)
    zc = jnp.concatenate([node0, node1, s2s0], -1)
    zc = jax.nn.relu(_ln(zc @ p['P1'] + p['pb1'], p['ln1g'], p['ln1b']))
    zc = jax.nn.relu(_ln(zc @ p['P2'] + p['pb2'], p['ln2g'], p['ln2b']))
    pred = zc @ p['P3'] + p['pb3']
    return jnp.take_along_axis(pred, target_class[:, None], 1).squeeze(-1)

if __name__ == "__main__":
    import jax
    _d = setup_inputs()
    print(jax.jit(kernel)(*tuple(_d.values())))

</pallas_src>

<mosaic_0001>
#map = affine_map<(d0, d1) -> (0, 0, 0)>
module attributes {stable_mosaic.version = 14 : i64} {
  func.func @k(%arg0: i32, %arg1: i32, %arg2: memref<32x40x128xi32, #tpu.memory_space<hbm>>, %arg3: memref<2x10016x16xf32, #tpu.memory_space<hbm>>, %arg4: memref<40x128xi32, #tpu.memory_space<vmem>>, %arg5: memref<128x16xf32, #tpu.memory_space<vmem>>, %arg6: memref<626x16xf32, #tpu.memory_space<vmem>>, %arg7: memref<10016x16xf32, #tpu.memory_space<vmem_shared>>) attributes {dimension_semantics = [#tpu.dimension_semantics<core_parallel>, #tpu.dimension_semantics<subcore_parallel>], iteration_bounds = array<i64: 2, 16>, scalar_prefetch = 0 : i64, scratch_operands = 4 : i64, tpu.core_type = #tpu.core_type<sc_vector_subcore>, window_params = [{transform_indices = #map}, {transform_indices = #map}]} {
    %mul3A = arith.constant 2 : i32
    %mul3A_0 = arith.muli %arg1, %mul3A : i32
    %add3A = arith.addi %mul3A_0, %arg0 : i32
    %scan3A = arith.constant 0 : i32
    %scan3A_1 = arith.constant 0 : i32
    %scan3A_2 = arith.constant 626 : i32
    %scan3A_3 = arith.addi %scan3A_1, %scan3A_2 : i32
    %scan3A_4 = arith.constant 1 : i32
    %scan3A_5 = scf.for %scan3A_28 = %scan3A_1 to %scan3A_3 step %scan3A_4 iter_args(%scan3A_29 = %scan3A) -> (i32)  : i32 {
      %broadcast_in_dim3A = arith.constant 0.000000e+00 : f32
      %broadcast_in_dim3A_30 = vector.broadcast %broadcast_in_dim3A : f32 to vector<16xf32>
      %swap3A = arith.index_cast %scan3A_28 : i32 to index
      %swap3A_31 = arith.constant 0 : index
      %swap3A_32 = tpu.vector_load %arg6[%swap3A, %swap3A_31] {strides = array<i32>} : memref<626x16xf32, #tpu.memory_space<vmem>>, vector<1x16xf32>,
      %swap3A_33 = vector.shape_cast %swap3A_32 : vector<1x16xf32> to vector<16xf32>
      %swap3A_34 = vector.shape_cast %broadcast_in_dim3A_30 : vector<16xf32> to vector<1x16xf32>
      tpu.vector_store %arg6[%swap3A, %swap3A_31], %swap3A_34 {strides = array<i32>} : memref<626x16xf32, #tpu.memory_space<vmem>>, vector<1x16xf32>,
      %scan3A_35 = arith.constant 0 : i32
      scf.yield %scan3A_35 : i32
    }
    %scan3A_6 = arith.constant 626 : i32
    %scan3A_7 = arith.constant 0 : i32
    %scan3A_8 = arith.constant 0 : i32
    %scan3A_9 = arith.constant 128 : i32
    %scan3A_10 = arith.addi %scan3A_8, %scan3A_9 : i32
    %scan3A_11 = arith.constant 1 : i32
    %scan3A_12 = scf.for %scan3A_28 = %scan3A_8 to %scan3A_10 step %scan3A_11 iter_args(%scan3A_29 = %scan3A_7) -> (i32)  : i32 {
      %broadcast_in_dim3A = arith.constant 1.000000e+00 : f32
      %broadcast_in_dim3A_30 = vector.broadcast %broadcast_in_dim3A : f32 to vector<16xf32>
      %swap3A = arith.index_cast %scan3A_28 : i32 to index
      %swap3A_31 = arith.constant 0 : index
      %swap3A_32 = tpu.vector_load %arg5[%swap3A, %swap3A_31] {strides = array<i32>} : memref<128x16xf32, #tpu.memory_space<vmem>>, vector<1x16xf32>,
      %swap3A_33 = vector.shape_cast %swap3A_32 : vector<1x16xf32> to vector<16xf32>
      %swap3A_34 = vector.shape_cast %broadcast_in_dim3A_30 : vector<16xf32> to vector<1x16xf32>
      tpu.vector_store %arg5[%swap3A, %swap3A_31], %swap3A_34 {strides = array<i32>} : memref<128x16xf32, #tpu.memory_space<vmem>>, vector<1x16xf32>,
      %scan3A_35 = arith.constant 0 : i32
      scf.yield %scan3A_35 : i32
    }
    %scan3A_13 = arith.constant 128 : i32
    %mul3A_14 = arith.constant 626 : i32
    %mul3A_15 = arith.muli %arg1, %mul3A_14 : i32
    "tpu.region"() ({
      %run_scoped3A = tpu.sem_alloc : memref<!tpu.dma_semaphore, #tpu.memory_space<semaphore_mem>>
      %dma_start3A = arith.constant 0 : i32
      %dma_start3A_28 = tpu.memref_slice %arg7[%mul3A_15, %dma_start3A] : memref<10016x16xf32, #tpu.memory_space<vmem_shared>> -> memref<626x16xf32, #tpu.memory_space<vmem_shared>>
      %dma_start3A_29 = arith.constant 0 : i32
      %dma_start3A_30 = tpu.memref_slice %arg7[%mul3A_15, %dma_start3A_29] : memref<10016x16xf32, #tpu.memory_space<vmem_shared>> -> memref<626x16xf32, #tpu.memory_space<vmem_shared>>
      tpu.enqueue_dma source(%arg6 : memref<626x16xf32, #tpu.memory_space<vmem>>) target(%dma_start3A_30 : memref<626x16xf32, #tpu.memory_space<vmem_shared>>) target_semaphore(%run_scoped3A : memref<!tpu.dma_semaphore, #tpu.memory_space<semaphore_mem>>)
      %dma_wait3A = arith.constant 0 : i32
      %dma_wait3A_31 = tpu.memref_slice %arg7[%mul3A_15, %dma_wait3A] : memref<10016x16xf32, #tpu.memory_space<vmem_shared>> -> memref<626x16xf32, #tpu.memory_space<vmem_shared>>
      %dma_wait3A_32 = arith.constant 0 : i32
      %dma_wait3A_33 = tpu.memref_slice %arg7[%mul3A_15, %dma_wait3A_32] : memref<10016x16xf32, #tpu.memory_space<vmem_shared>> -> memref<626x16xf32, #tpu.memory_space<vmem_shared>>
      tpu.wait_dma2 semaphore(%run_scoped3A : memref<!tpu.dma_semaphore, #tpu.memory_space<semaphore_mem>>) src(%arg6 : memref<626x16xf32, #tpu.memory_space<vmem>>) dst(%dma_wait3A_33 : memref<626x16xf32, #tpu.memory_space<vmem_shared>>)
      tpu.yield
    }) : () -> ()
    %barrier3A = arith.constant 0 : index
    tpu.barrier barrier_id(%barrier3A)
    "tpu.region"() ({
      %run_scoped3A = tpu.sem_alloc : memref<!tpu.dma_semaphore, #tpu.memory_space<semaphore_mem>>
      %dma_start3A = arith.constant 0 : i32
      %dma_start3A_28 = arith.constant 0 : i32
      %dma_start3A_29 = tpu.memref_slice %arg2[%add3A, %dma_start3A, %dma_start3A_28] : memref<32x40x128xi32, #tpu.memory_space<hbm>> -> memref<1x40x128xi32, #tpu.memory_space<hbm>>
      %dma_start3A_30 = tpu.memref_squeeze %dma_start3A_29 : memref<1x40x128xi32, #tpu.memory_space<hbm>> -> memref<40x128xi32, #tpu.memory_space<hbm>>
      %dma_start3A_31 = arith.constant 0 : i32
      %dma_start3A_32 = arith.constant 0 : i32
      %dma_start3A_33 = tpu.memref_slice %arg2[%add3A, %dma_start3A_31, %dma_start3A_32] : memref<32x40x128xi32, #tpu.memory_space<hbm>> -> memref<1x40x128xi32, #tpu.memory_space<hbm>>
      %dma_start3A_34 = tpu.memref_squeeze %dma_start3A_33 : memref<1x40x128xi32, #tpu.memory_space<hbm>> -> memref<40x128xi32, #tpu.memory_space<hbm>>
      tpu.enqueue_dma source(%dma_start3A_34 : memref<40x128xi32, #tpu.memory_space<hbm>>) target(%arg4 : memref<40x128xi32, #tpu.memory_space<vmem>>) target_semaphore(%run_scoped3A : memref<!tpu.dma_semaphore, #tpu.memory_space<semaphore_mem>>)
      %dma_wait3A = arith.constant 0 : i32
      %dma_wait3A_35 = arith.constant 0 : i32
      %dma_wait3A_36 = tpu.memref_slice %arg2[%add3A, %dma_wait3A, %dma_wait3A_35] : memref<32x40x128xi32, #tpu.memory_space<hbm>> -> memref<1x40x128xi32, #tpu.memory_space<hbm>>
      %dma_wait3A_37 = tpu.memref_squeeze %dma_wait3A_36 : memref<1x40x128xi32, #tpu.memory_space<hbm>> -> memref<40x128xi32, #tpu.memory_space<hbm>>
      %dma_wait3A_38 = arith.constant 0 : i32
      %dma_wait3A_39 = arith.constant 0 : i32
      %dma_wait3A_40 = tpu.memref_slice %arg2[%add3A, %dma_wait3A_38, %dma_wait3A_39] : memref<32x40x128xi32, #tpu.memory_space<hbm>> -> memref<1x40x128xi32, #tpu.memory_space<hbm>>
      %dma_wait3A_41 = tpu.memref_squeeze %dma_wait3A_40 : memref<1x40x128xi32, #tpu.memory_space<hbm>> -> memref<40x128xi32, #tpu.memory_space<hbm>>
      tpu.wait_dma2 semaphore(%run_scoped3A : memref<!tpu.dma_semaphore, #tpu.memory_space<semaphore_mem>>) src(%dma_wait3A_41 : memref<40x128xi32, #tpu.memory_space<hbm>>) dst(%arg4 : memref<40x128xi32, #tpu.memory_space<vmem>>)
      tpu.yield
    }) : () -> ()
    %scan3A_16 = arith.constant 0 : i32
    %scan3A_17 = arith.constant 0 : i32
    %scan3A_18 = arith.constant 40 : i32
    %scan3A_19 = arith.addi %scan3A_17, %scan3A_18 : i32
    %scan3A_20 = arith.constant 1 : i32
    %scan3A_21 = scf.for %scan3A_28 = %scan3A_17 to %scan3A_19 step %scan3A_20 iter_args(%scan3A_29 = %scan3A_16) -> (i32)  : i32 {
      "tpu.region"() ({
        %run_scoped3A = tpu.sem_alloc : memref<!tpu.dma_semaphore, #tpu.memory_space<semaphore_mem>>
        %dma_start3A = arith.constant 0 : i32
        %dma_start3A_31 = tpu.memref_slice %arg4[%scan3A_28, %dma_start3A] : memref<40x128xi32, #tpu.memory_space<vmem>> -> memref<1x128xi32, #tpu.memory_space<vmem>>
        %dma_start3A_32 = tpu.memref_squeeze %dma_start3A_31 : memref<1x128xi32, #tpu.memory_space<vmem>> -> memref<128xi32, #tpu.memory_space<vmem>>
        %dma_start3A_33 = arith.constant 0 : i32
        %dma_start3A_34 = arith.constant 0 : i32
        %dma_start3A_35 = tpu.memref_slice %arg7[%dma_start3A_33, %dma_start3A_34] : memref<10016x16xf32, #tpu.memory_space<vmem_shared>> -> memref<10016x16xf32, #tpu.memory_space<vmem_shared>>
        tpu.enqueue_indirect_dma source(%arg5 : memref<128x16xf32, #tpu.memory_space<vmem>>) target(%dma_start3A_35 : memref<10016x16xf32, #tpu.memory_space<vmem_shared>>) offsets(%dma_start3A_32 : memref<128xi32, #tpu.memory_space<vmem>>) semaphore(%run_scoped3A : memref<!tpu.dma_semaphore, #tpu.memory_space<semaphore_mem>>) {add = true}
        %dma_wait3A = arith.constant 0 : i32
        %dma_wait3A_36 = tpu.memref_slice %arg4[%scan3A_28, %dma_wait3A] : memref<40x128xi32, #tpu.memory_space<vmem>> -> memref<1x128xi32, #tpu.memory_space<vmem>>
        %dma_wait3A_37 = tpu.memref_squeeze %dma_wait3A_36 : memref<1x128xi32, #tpu.memory_space<vmem>> -> memref<128xi32, #tpu.memory_space<vmem>>
        %dma_wait3A_38 = arith.constant 0 : i32
        %dma_wait3A_39 = arith.constant 0 : i32
        %dma_wait3A_40 = tpu.memref_slice %arg7[%dma_wait3A_38, %dma_wait3A_39] : memref<10016x16xf32, #tpu.memory_space<vmem_shared>> -> memref<10016x16xf32, #tpu.memory_space<vmem_shared>>
        tpu.wait_indirect_dma semaphore(%run_scoped3A : memref<!tpu.dma_semaphore, #tpu.memory_space<semaphore_mem>>) src(%arg5 : memref<128x16xf32, #tpu.memory_space<vmem>>) dst(%dma_wait3A_40 : memref<10016x16xf32, #tpu.memory_space<vmem_shared>>)
        tpu.yield
      }) : () -> ()
      %scan3A_30 = arith.constant 0 : i32
      scf.yield %scan3A_30 : i32
    }
    %scan3A_22 = arith.constant 40 : i32
    %barrier3A_23 = arith.constant 0 : index
    tpu.barrier barrier_id(%barrier3A_23)
    %mul3A_24 = arith.constant 626 : i32
    %mul3A_25 = arith.muli %arg1, %mul3A_24 : i32
    "tpu.region"() ({
      %run_scoped3A = tpu.sem_alloc : memref<!tpu.dma_semaphore, #tpu.memory_space<semaphore_mem>>
      %dma_start3A = arith.constant 0 : i32
      %dma_start3A_28 = tpu.memref_slice %arg7[%mul3A_25, %dma_start3A] : memref<10016x16xf32, #tpu.memory_space<vmem_shared>> -> memref<626x16xf32, #tpu.memory_space<vmem_shared>>
      %dma_start3A_29 = arith.constant 0 : i32
      %dma_start3A_30 = tpu.memref_slice %arg7[%mul3A_25, %dma_start3A_29] : memref<10016x16xf32, #tpu.memory_space<vmem_shared>> -> memref<626x16xf32, #tpu.memory_space<vmem_shared>>
      tpu.enqueue_dma source(%dma_start3A_30 : memref<626x16xf32, #tpu.memory_space<vmem_shared>>) target(%arg6 : memref<626x16xf32, #tpu.memory_space<vmem>>) target_semaphore(%run_scoped3A : memref<!tpu.dma_semaphore, #tpu.memory_space<semaphore_mem>>)
      %dma_wait3A = arith.constant 0 : i32
      %dma_wait3A_31 = tpu.memref_slice %arg7[%mul3A_25, %dma_wait3A] : memref<10016x16xf32, #tpu.memory_space<vmem_shared>> -> memref<626x16xf32, #tpu.memory_space<vmem_shared>>
      %dma_wait3A_32 = arith.constant 0 : i32
      %dma_wait3A_33 = tpu.memref_slice %arg7[%mul3A_25, %dma_wait3A_32] : memref<10016x16xf32, #tpu.memory_space<vmem_shared>> -> memref<626x16xf32, #tpu.memory_space<vmem_shared>>
      tpu.wait_dma2 semaphore(%run_scoped3A : memref<!tpu.dma_semaphore, #tpu.memory_space<semaphore_mem>>) src(%dma_wait3A_33 : memref<626x16xf32, #tpu.memory_space<vmem_shared>>) dst(%arg6 : memref<626x16xf32, #tpu.memory_space<vmem>>)
      tpu.yield
    }) : () -> ()
    %mul3A_26 = arith.constant 626 : i32
    %mul3A_27 = arith.muli %arg1, %mul3A_26 : i32
    "tpu.region"() ({
      %run_scoped3A = tpu.sem_alloc : memref<!tpu.dma_semaphore, #tpu.memory_space<semaphore_mem>>
      %dma_start3A = arith.constant 0 : i32
      %dma_start3A_28 = tpu.memref_slice %arg3[%arg0, %mul3A_27, %dma_start3A] : memref<2x10016x16xf32, #tpu.memory_space<hbm>> -> memref<1x626x16xf32, #tpu.memory_space<hbm>>
      %dma_start3A_29 = tpu.memref_squeeze %dma_start3A_28 : memref<1x626x16xf32, #tpu.memory_space<hbm>> -> memref<626x16xf32, #tpu.memory_space<hbm>>
      %dma_start3A_30 = arith.constant 0 : i32
      %dma_start3A_31 = tpu.memref_slice %arg3[%arg0, %mul3A_27, %dma_start3A_30] : memref<2x10016x16xf32, #tpu.memory_space<hbm>> -> memref<1x626x16xf32, #tpu.memory_space<hbm>>
      %dma_start3A_32 = tpu.memref_squeeze %dma_start3A_31 : memref<1x626x16xf32, #tpu.memory_space<hbm>> -> memref<626x16xf32, #tpu.memory_space<hbm>>
      tpu.enqueue_dma source(%arg6 : memref<626x16xf32, #tpu.memory_space<vmem>>) target(%dma_start3A_32 : memref<626x16xf32, #tpu.memory_space<hbm>>) target_semaphore(%run_scoped3A : memref<!tpu.dma_semaphore, #tpu.memory_space<semaphore_mem>>)
      %dma_wait3A = arith.constant 0 : i32
      %dma_wait3A_33 = tpu.memref_slice %arg3[%arg0, %mul3A_27, %dma_wait3A] : memref<2x10016x16xf32, #tpu.memory_space<hbm>> -> memref<1x626x16xf32, #tpu.memory_space<hbm>>
      %dma_wait3A_34 = tpu.memref_squeeze %dma_wait3A_33 : memref<1x626x16xf32, #tpu.memory_space<hbm>> -> memref<626x16xf32, #tpu.memory_space<hbm>>
      %dma_wait3A_35 = arith.constant 0 : i32
      %dma_wait3A_36 = tpu.memref_slice %arg3[%arg0, %mul3A_27, %dma_wait3A_35] : memref<2x10016x16xf32, #tpu.memory_space<hbm>> -> memref<1x626x16xf32, #tpu.memory_space<hbm>>
      %dma_wait3A_37 = tpu.memref_squeeze %dma_wait3A_36 : memref<1x626x16xf32, #tpu.memory_space<hbm>> -> memref<626x16xf32, #tpu.memory_space<hbm>>
      tpu.wait_dma2 semaphore(%run_scoped3A : memref<!tpu.dma_semaphore, #tpu.memory_space<semaphore_mem>>) src(%arg6 : memref<626x16xf32, #tpu.memory_space<vmem>>) dst(%dma_wait3A_37 : memref<626x16xf32, #tpu.memory_space<hbm>>)
      tpu.yield
    }) : () -> ()
    return
  }
}

</mosaic_0001>

<sc_bundles>
// kernel: _sc_degree.3.cloned.1.call-start
scs
__scs_entry_jumppad:
0x0: {  	(pc) =	sbr.rel $0x88, $3  }
0x1: {  	(tag) =	ssettag $0x0;
	lr =	simm.s32 $0x1  }
0x2: {  	[smem:$0x3FA0] =	sst lr;
	_ =	strace $0xD0000000  }
0x3: {  	_ = 	snop  }
0x4: {  	_ = 	snop  }
0x5: {  	_ = 	snop  }
0x6: {  	_ = 	snop  }
0x7: {  	_ = 	snop  }
__scs_overlays_trampoline_lowered:
0x8: {  	[smem:$0x3FAF] =	sst s0  }
0x9: {  	[smem:$0x3FB0] =	sst s1  }
0xa: {  	[smem:$0x3FB1] =	sst s2  }
0xb: {  	[smem:$0x3FB2] =	sst s3  }
0xc: {  	[smem:$0x3FB3] =	sst s4  }
0xd: {  	[smem:$0x3FB4] =	sst s5  }
0xe: {  	[smem:$0x3FB5] =	sst s6  }
0xf: {  	[smem:$0x3FB6] =	sst s7  }
0x10: {  	[smem:$0x3FB7] =	sst s8  }
0x11: {  	[smem:$0x3FB8] =	sst s9;
	s0 =	simm.s32 @!p0 $0x0  }
0x12: {  	s1 =	sld [smem:$0x3F9E];
	s0 =	simm.s32 @p0 $0x1  }
0x13: {  	[smem:$0x3FB9] =	sst s0;
	s0 =	simm.s32 @!p1 $0x0  }
0x14: {  	s2 =	sld [smem:$0x3F9D];
	s0 =	simm.s32 @p1 $0x1  }
0x15: {  	[smem:$0x3FBA] =	sst s0;
	s0 =	simm.s32 @!p2 $0x0  }
0x16: {  	s3 =	sld [smem:$0x3FDB];
	s0 =	simm.s32 @p2 $0x1  }
0x17: {  	s4 =	simm.s32 $0x1BF5;
	[smem:$0x3FBC] =	sst s0  }
0x18: {  	s0 =	sld [smem:$0x3F9F];
	_ =	swait.ge [sflag:s4], $0x0  }
0x19: {  	s7 =	sld [smem:$0x3FA0]  }
0x1a: {  	s8 =	sadd.s32 $0xFFFFE003, lr  }
0x1b: {  	s9 =	sadd.s32 $0xFFFFFEF7, lr;
	s5 =	simm.s32 $0xFFFFFFFF;
	p2 =	slt.u32 s8, $0xFFFFF086  }
0x1c: {  	p1 =	slt.u32 s9, $0xF7A;
	s5 =	simm.s32 @!p2 $0x0  }
0x1d: {  	s5 =	simm.s32 @p1 $0x1;
	p0 =	seq.s32 s7, s2  }
0x1e: {  	s7 =	smul.u32 @!p0 $0xF7A, s2;
	p2 =	seq.s32 @!p0 s5, $0x0  }
0x1f: {  	s9 =	smul.u32 $0xF7A, s1;
	s8 =	simm.s32 @!p0 $0x1BF5;
	p2 =	por !p2, p0  }
0x20: {  	[sflag:s8] =	ssyncset.s32 @!p0 $0xFFFFF086;
	s6 =	sadd.s32 @!p0 s3, s7;
	s7 =	simm.s32 @!p0 $0x108  }
0x21: {  	s3 =	sadd.s32 s3, s9;
	s6 =	sadd.s32 @!p0 $0x88, s6;
	s7 =	simm.s32 @p2 $0x1082  }
0x22: {  	[simem:s7], [sflag:s8] =	dma.local @!p0 [hbm:s6], $0xF7A  }
0x23: {  	s9 =	sor.u32 $0xD0000000, s2;
	s6 =	simm.s32 $0x108;
	_ =	swait.ge @!p0 [sflag:s8], $0x0  }
0x24: {  	s3 =	sadd.s32 $0x88, s3;
	s6 =	simm.s32 @!p1 $0x1082;
	[sflag:s4] =	ssyncset.s32 $0xFFFFF086  }
0x25: {  	[simem:s6], [sflag:s4] =	dma.local [hbm:s3], $0xF7A  }
0x26: {  	[smem:$0x3FA0] =	sst s1;
	(tag) =	ssettag s2;
	_ =	strace s9  }
0x27: {  	s1 =	sld [smem:$0x3FB0]  }
0x28: {  	s2 =	sld [smem:$0x3FB1]  }
0x29: {  	s4 =	sld [smem:$0x3FB3]  }
0x2a: {  	p0 =	seq.s32 s5, $0x0;
	s5 =	sld [smem:$0x3FB4]  }
0x2b: {  	s6 =	sld [smem:$0x3FB5]  }
0x2c: {  	s7 =	sld [smem:$0x3FB6]  }
0x2d: {  	s3 =	simm.s32 $0x108;
	s8 =	sld [smem:$0x3FB7]  }
0x2e: {  	s3 =	simm.s32 @!p0 $0x1082;
	s9 =	sld [smem:$0x3FB8]  }
0x2f: {  	lr =	sadd.s32 s0, s3;
	s0 =	sld [smem:$0x3FAF]  }
0x30: {  	s3 =	sld [smem:$0x3FB2]  }
0x31: {  	[smem:$0x3FBB] =	sst s10  }
0x32: {  	s10 =	sld [smem:$0x3FB9];
	_ =	sdelay $0x3  }
0x33: {  	p0 =	seq.s32 s10, $0x1;
	s10 =	sld [smem:$0x3FBB];
	_ =	sdelay $0x3  }
0x34: {  	[smem:$0x3FBB] =	sst s10  }
0x35: {  	s10 =	sld [smem:$0x3FBA];
	_ =	sdelay $0x3  }
0x36: {  	p1 =	seq.s32 s10, $0x1;
	s10 =	sld [smem:$0x3FBB];
	_ =	sdelay $0x3  }
0x37: {  	[smem:$0x3FBB] =	sst s10  }
0x38: {  	s10 =	sld [smem:$0x3FBC]  }
0x39: {  	_ = 	snop;
	(pc) =	sbr.ind lr, $3  }
0x3a: {  	_ = 	snop  }
0x3b: {  	_ = 	snop  }
0x3c: {  	p2 =	seq.s32 s10, $0x1;
	s10 =	sld [smem:$0x3FBB]  }
0x3d: {  	_ =	shalt  }
0x3e: {  	_ =	shalt  }
0x3f: {  	_ =	shalt  }
0x40: {  	_ =	shalt  }
0x41: {  	_ =	shalt  }
0x42: {  	_ =	shalt  }
0x43: {  	_ =	shalt  }
0x44: {  	_ =	shalt  }
0x45: {  	_ =	shalt  }
0x46: {  	_ =	shalt  }
0x47: {  	_ =	shalt  }
0x48: {  	_ =	shalt  }
0x49: {  	_ =	shalt  }
0x4a: {  	_ =	shalt  }
0x4b: {  	_ =	shalt  }
0x4c: {  	_ =	shalt  }
0x4d: {  	_ =	shalt  }
0x4e: {  	_ =	shalt  }
0x4f: {  	_ =	shalt  }
0x50: {  	_ =	shalt  }
0x51: {  	_ =	shalt  }
0x52: {  	_ =	shalt  }
0x53: {  	_ =	shalt  }
0x54: {  	_ =	shalt  }
0x55: {  	_ =	shalt  }
0x56: {  	_ =	shalt  }
0x57: {  	_ =	shalt  }
0x58: {  	_ =	shalt  }
0x59: {  	_ =	shalt  }
0x5a: {  	_ =	shalt  }
0x5b: {  	_ =	shalt  }
0x5c: {  	_ =	shalt  }
0x5d: {  	_ =	shalt  }
0x5e: {  	_ =	shalt  }
0x5f: {  	_ =	shalt  }
0x60: {  	_ =	shalt  }
0x61: {  	_ =	shalt  }
0x62: {  	_ =	shalt  }
0x63: {  	_ =	shalt  }
0x64: {  	_ =	shalt  }
0x65: {  	_ =	shalt  }
0x66: {  	_ =	shalt  }
0x67: {  	_ =	shalt  }
0x68: {  	_ =	shalt  }
0x69: {  	_ =	shalt  }
0x6a: {  	_ =	shalt  }
0x6b: {  	_ =	shalt  }
0x6c: {  	_ =	shalt  }
0x6d: {  	_ =	shalt  }
0x6e: {  	_ =	shalt  }
0x6f: {  	_ =	shalt  }
0x70: {  	_ =	shalt  }
0x71: {  	_ =	shalt  }
0x72: {  	_ =	shalt  }
0x73: {  	_ =	shalt  }
0x74: {  	_ =	shalt  }
0x75: {  	_ =	shalt  }
0x76: {  	_ =	shalt  }
0x77: {  	_ =	shalt  }
0x78: {  	_ =	shalt  }
0x79: {  	_ =	shalt  }
0x7a: {  	_ =	shalt  }
0x7b: {  	_ =	shalt  }
0x7c: {  	_ =	shalt  }
0x7d: {  	_ =	shalt  }
0x7e: {  	_ =	shalt  }
0x7f: {  	_ =	shalt  }
0x80: {  	_ =	shalt  }
0x81: {  	_ =	shalt  }
0x82: {  	_ =	shalt  }
0x83: {  	_ =	shalt  }
0x84: {  	_ =	shalt  }
0x85: {  	_ =	shalt  }
0x86: {  	_ =	shalt  }
0x87: {  	_ =	shalt  }
.Lfunc_end0:
.L_simem_size_0:
called_computation_lowered:
.L_overlay_start_0:
0x88: {  	s2 =	sld [smem:$0x3FD9]  }
0x89: {  	s3 =	sld [smem:$0x3FFE];
	_ =	sdelay $0x1  }
0x8a: {  	s1 =	srdreg.scid  }
0x8b: {  	s0 =	sand.u32 $0x1, s1  }
0x8c: {  	s18 =	sshll.u32 s0, $0xA;
	s2 =	sadd.s32 s3, s2  }
0x8d: {  	s2 =	sadd.s32 s2, s18  }
0x8e: {  	[smem:$0x3FC7] =	sst s2  }
0x8f: {  	_ = 	snop  }
0x90: {  	s2 =	sld [smem:$0x3FC9]  }
0x91: {  	s19 =	sld [smem:$0x3FD0];
	(tm) =	ssettm $0x1  }
0x92: {  	s4 =	sld [smem:$0x3FFB];
	_ =	sdelay $0x3  }
0x93: {  	_ =	strace s4  }
0x94: {  	s4 =	sld [smem:$0x3FFC];
	_ =	sdelay $0x3  }
0x95: {  	_ =	strace s4  }
0x96: {  	s4 =	sld [smem:$0x3FFD];
	_ =	sdelay $0x3  }
0x97: {  	_ =	strace s4  }
0x98: {  	_ =	strace $0x8FFFFFFF  }
0x99: {  	s20 =	sld [smem:$0x3FDB];
	_ =	sdelay $0x1  }
0x9a: {  	s5 =	simm.s32 $_scs_section_size  }
0x9b: {  	s6 =	simm.s32 $_size__tile_overlayer_lowered;
	s7 =	simm.s32 $_tile_overlayer_lowered  }
0x9c: {  	s23 =	simm.s32 $0x1BFF;
	s22 =	sshll.u32 s7, $0x1;
	s4 =	sadd.s32 s5, s20  }
0x9d: {  	s8 =	simm.s32 $0x0;
	s21 =	sshll.u32 s6, $0x1;
	s6 =	sadd.s32 s22, s4  }
0x9e: {  	[timem:s8], [sflag:s23] =	dma.local [hbm:s6], s21  }
0x9f: {  	_ =	swait.ge [sflag:s23], s21  }
0xa0: {  	s5 =	ssub.s32 $0x0, s21;
	[sflag:s23] =	ssyncset.done $0x0  }
0xa1: {  	[sflag:s23] =	ssyncadd.s32 s5;
	_ =	sdelay $0x1  }
0xa2: {  	s24 =	simm.s32 $0x1B8B  }
0xa3: {  	_ =	swait.ge [sflag:s24], $0x1  }
0xa4: {  	[sflag:s24] =	ssyncset.done $0x0  }
0xa5: {  	s25 =	simm.s32 $0x1B8E;
	[sflag:s24] =	ssyncadd.s32 $0xFFFFFFFF  }
0xa6: {  	s26 =	simm.s32 $execute0_lowered;
	[smem:$0x3FD2] =	sst s25  }
0xa7: {  	s5 =	sshll.u32 s26, $0x1;
	_ =	strace $0x80000046;
	[dreg:$0x1] =	wrdreg $0xFFFFFFFF  }
0xa8: {  	s28 =	simm.s32 $_size_execute0_lowered;
	s4 =	sadd.s32 s4, s5;
	[dreg:$0x0] =	wrdreg $0x0  }
0xa9: {  	s5 =	sshll.u32 s28, $0x1;
	[dreg:$0x2] =	wrdreg s4  }
0xaa: {  	[dreg:$0x3] =	wrdreg s5  }
0xab: {  	[dreg:$0x4] =	wrdreg $0xC0  }
0xac: {  	_ =	task [dreg:s8], $0x5FFFF  }
0xad: {  	[dreg:$0x1] =	wrdreg $0xFFFFFFFF  }
0xae: {  	[dreg:$0x0] =	wrdreg $0x60  }
0xaf: {  	[dreg:$0x2] =	wrdreg s2  }
0xb0: {  	[dreg:$0x3] =	wrdreg s19  }
0xb1: {  	[dreg:$0x4] =	wrdreg $0x43200  }
0xb2: {  	[dreg:$0x5] =	wrdreg $0x9  }
0xb3: {  	_ =	task.clear_ibuf [dreg:s8], $0x6FFFF;
	_ =	strace $0x90000046  }
0xb4: {  	s29 =	simm.s32 $0x9;
	_ =	strace $0x80000048  }
0xb5: {  	_ =	swait.ge [sflag:s29], $0x1  }
0xb6: {  	[sflag:s29] =	ssyncadd.s32 $0xFFFFFFFF  }
0xb7: {  	_ =	strace $0x90000048  }
0xb8: {  	_ =	sfence  }
0xb9: {  	s30 =	sld [smem:$0x0];
	_ =	sdelay $0x2  }
0xba: {  	s31 =	sshll.u32 s1, $0xD;
	s1 =	sshrl.u32 s1, $0x2  }
0xbb: {  	s3 =	sand.u32 $0x4000, s31;
	s1 =	sadd.s32 s1, s30  }
0xbc: {  	s0 =	sor.u32 s3, s0;
	s1 =	sshll.u32 s1, $0x11  }
0xbd: {  	s0 =	sor.u32 s1, s0  }
0xbe: {  	s0 =	sadd.s32 $0x8F2B, s0  }
0xbf: {  	[sflag:s0] =	ssyncadd.remote.s32 $0x1  }
0xc0: {  	_ =	sfence.sel $0xFFFF  }
0xc1: {  	[dreg:$0x0] =	wrdreg $0xFFFFFFFF;
	(pc) =	sbr.abs _section_cstart, $3  }
0xc2: {  	[dreg:$0x1] =	wrdreg $0xFFFFFFFF  }
0xc3: {  	_ =	task.clear_ibuf [dreg:s8], $0x2FFFF;
	_ =	strace $0x9FFFFFFF  }
0xc4: {  	(tm) =	ssettm $0x7FFFFFFF  }
0xc5: {  	_ =	shalt  }
tec
execute0_lowered:
.L_overlay_start_1:
0x0: {  	(tag) =	ssettag $0x1  }
0x1: {  	s5 =	rddreg [dreg:$0x0]  }
0x2: {  	s6 =	rddreg [dreg:$0x1]  }
0x3: {  	s2 =	rddreg [dreg:$0x2]  }
0x4: {  	s3 =	srdreg.scid;
	s1 =	stileid.u32  }
0x5: {  	s0 =	rddreg [dreg:$0x3];
	s12 =	simm.s32 $0x0;
	s4 =	sand.u32 $0x1, s3  }
0x6: {  	s7 =	smul.u32 $0x2720, s1;
	s3 =	simm.s32 $0x0;
	s8 =	sshll.u32 s1, $0x1  }
0x7: {  	s9 =	smul.u32 $0x27200, s4;
	s10 =	ssub.s32 $0x2, s4;
	s4 =	sor.u32 s4, s8  }
0x8: {  	[smem:$0x7FF] =	sst s3;
	s30 =	sshrl.u32 s10, $0x1;
	s11 =	smul.u32 $0x280, s4  }
0x9: {  	_ =	strace $0x80000047;
	s4 =	sadd.s32 s7, s2;
	s31 =	sadd.s32 s7, s9  }
0xa: {  	s8 =	ssub.s32 s10, s30;
	s10 =	simm.s32 $0x80;
	s9 =	sshrl.u32 s31, $0x3  }
0xb: {  	s5 =	sadd.s32 s5, s11;
	s7 =	smax.u32 s8, $0x1;
	s8 =	simm.s32 $0x1C00  }
0xc: {  	v0 =	vimm.f32 $0.0e+00;
	v1 =	vimm.f32 $1.000000000e+00;
	s11 =	simm.s32 $0x1400;
	s6 =	sadd.s32 s6, s9;
	s9 =	simm.s32 $0x1  }
.LBB2_1:
0xd: {  	s13 =	simm.s32 $0x0  }
.LBB2_2:
0xe: {  	p0 =	sne.s32 s13, $0x9C40  }
.Ltmp0:
0xf: {  	_ = 	snop;
	(pc) =	sbr.rel @p0 .LBB2_2-.Ltmp0, $3  }
0x10: {  	_ =	sdelay $0x1  }
0x11: {  	s14 =	sshra.s32 s13, $0x2  }
0x12: {  	s13 =	sadd.s32 $0x40, s13;
	[tilespmem:s14+$0x1C00] =	vst v0  }
0x13: {  	s13 =	simm.s32 $0x40;
	s14 =	simm.s32 $0x0  }
.LBB2_4:
0x14: {  	p0 =	sne.s32 s13, $0x1FC0;
	[tilespmem:s14+$0x1400] =	vst v1;
	s14 =	smov.u32 s13;
	s13 =	sadd.s32 $0x40, s13  }
.Ltmp1:
0x15: {  	(pc) =	sbr.rel @p0 .LBB2_4-.Ltmp1, $2  }
0x16: {  	_ =	sdelay $0x2  }
0x17: {  	s14 =	sshra.s32 s14, $0x2  }
0x18: {  	[tilespmem:s14+$0x1400] =	vst v1  }
0x19: {  	[spmem:s4] =	stream.linear.scatter [tilespmem:s8], [sflag:$0x1], $0x2720, $0x38;
	[tilespmem:$0x6A40] =	vst v63  }
0x1a: {  	_ =	swait.ge [sflag:s9], $0x2720  }
0x1b: {  	[sflag:s9] =	ssyncset.done $0x0  }
0x1c: {  	[sflag:s9] =	ssyncadd.s32 $0xFFFFD8E0  }
0x1d: {  	s13 =	simm.s32 $0x0;
	[bflag:$0x0] =	sbarrier.arrive $0xFFFF  }
0x1e: {  	[tilespmem:s13], [sflag:$0x1] =	stream.linear.gather [hbm4b:s5+s13], $0x1400, $0x38;
	[tilespmem:$0x6A40] =	vst v63  }
0x1f: {  	_ =	swait.ge [sflag:s9], $0x1400  }
0x20: {  	[sflag:s9] =	ssyncset.done $0x0  }
0x21: {  	s31 =	simm.s32 $0x0;
	[sflag:s9] =	ssyncadd.s32 $0xFFFFEC00  }
0x22: {  	[spmem:s2] =	stream.indirect.scatter.add.f32 [tilespmem:s11], [sflag:$0x1], $0x10, s31, s10, $0xb8;
	[tilespmem:$0x6A40] =	vst v63  }
0x23: {  	_ =	swait.ge [sflag:s9], $0x800  }
0x24: {  	s13 =	simm.s32 $0x200;
	[sflag:s9] =	ssyncset.done $0x0  }
.LBB2_6:
0x25: {  	s14 =	sshra.s32 s13, $0x2;
	[sflag:s9] =	ssyncadd.s32 $0xFFFFF800;
	p0 =	sne.s32 s13, $0x4E00  }
0x26: {  	[spmem:s2] =	stream.indirect.scatter.add.f32 [tilespmem:s11], [sflag:$0x1], $0x10, s14, s10, $0xb8;
	[tilespmem:$0x6A40] =	vst v63  }
.Ltmp2:
0x27: {  	_ = 	snop;
	(pc) =	sbr.rel @p0 .LBB2_6-.Ltmp2, $4  }
0x28: {  	_ = 	snop  }
0x29: {  	s13 =	sadd.s32 $0x200, s13  }
0x2a: {  	_ =	swait.ge [sflag:s9], $0x800  }
0x2b: {  	[sflag:s9] =	ssyncset.done $0x0  }
0x2c: {  	[sflag:s9] =	ssyncadd.s32 $0xFFFFF800  }
0x2d: {  	[bflag:$0x0] =	sbarrier.arrive $0xFFFF  }
0x2e: {  	[tilespmem:s8], [sflag:$0x1] =	stream.linear.gather [spmem:s4], $0x2720, $0x38;
	[tilespmem:$0x6A40] =	vst v63  }
0x2f: {  	s12 =	sadd.s32 $0x1, s12;
	_ =	swait.ge [sflag:s9], $0x2720  }
0x30: {  	p0 =	sne.s32 s12, s7;
	[sflag:s9] =	ssyncset.done $0x0  }
.Ltmp3:
0x31: {  	[sflag:s9] =	ssyncadd.s32 $0xFFFFD8E0;
	(pc) =	sbr.rel @p0 .LBB2_1-.Ltmp3, $4  }
0x32: {  	[hbm4b:s6+s3] =	stream.linear.scatter [tilespmem:s8], [sflag:$0x1], $0x2720, $0x38;
	[tilespmem:$0x6A40] =	vst v63  }
0x33: {  	_ =	swait.ge [sflag:s9], $0x2720  }
0x34: {  	[sflag:s9] =	ssyncset.done $0x0  }
0x35: {  	[sflag:s9] =	ssyncadd.s32 $0xFFFFD8E0  }
0x36: {  	_ =	sfence.sel $0x180000  }
0x37: {  	[bflag:$0x0] =	sbarrier.arrive $0xFFFF  }
0x38: {  	p0 =	sne.s32 s1, $0x0;
	_ =	strace $0x90000047  }
0x39: {  	s0 =	sadd.s32 @!p0 $0x100000, s0;
	[bflag:$0x2] =	sbarrier.arrive $0xFFFF  }
0x3a: {  	[sflag:s0] =	ssyncadd.tile.s32 @!p0 $0x1;
	_ =	shalt  }
.Lfunc_end2:
_tile_overlayer_lowered:
.L_overlay_start_2:
0x3b: {  	(tag) =	ssettag $0x2  }
0x3c: {  	s0 =	rddreg [dreg:$0x0];
	s2 =	stileid.u32  }
0x3d: {  	s1 =	rddreg [dreg:$0x1];
	p0 =	sne.s32 s2, $0x0  }
0x3e: {  	s3 =	rddreg [dreg:$0x2];
	[bflag:$0x3] =	sbarrier.arrive $0xFFFF;
	s2 =	simm.s32 @!p0 $0x1C01  }
0x3f: {  	[timem:s3], [sflag:s2] =	dma.local @!p0 [hbm:s0], s1  }
0x40: {  	s0 =	simm.s32 @!p0 $0x1  }
0x41: {  	_ =	swait.ge @!p0 [sflag:s0], s1  }
0x42: {  	s1 =	ssub.s32 @!p0 $0x0, s1;
	[sflag:s0] =	ssyncset.done @!p0 $0x0  }
0x43: {  	[sflag:s0] =	ssyncadd.s32 @!p0 s1  }
0x44: {  	[bflag:$0x3] =	sbarrier.arrive $0xFFFF  }
0x45: {  	_ =	shalt  }

</sc_bundles>
